<compile_context>
chip_gen: v7x
topology: tpu7x:2x2x1
jax: 0.10.2.dev20260603
libtpu: 0.0.44.dev20260713+nightly
codegen_flags: <defaults>
</compile_context>

<pallas_src>
import functools

import jax
import jax.numpy as jnp
from jax import lax
from jax.experimental import pallas as pl
from jax.experimental.pallas import tpu as pltpu
from jax.experimental.pallas import tpu_sc as plsc

BATCH = 16384
EMB = 64
FEAT = 128
NC, NS = 2, 16
NW = NC * NS
B_PER_W = BATCH // NW
B_CHUNK = 512

_MESH = plsc.VectorSubcoreMesh(core_axis_name="c", subcore_axis_name="s")


def _sc_gather_wide(table128, ids):

    @functools.partial(
        pl.kernel,
        mesh=_MESH,
        out_type=jax.ShapeDtypeStruct((BATCH, 2 * EMB), jnp.float32),
        scratch_types=[
            pltpu.VMEM((B_CHUNK,), jnp.int32),
            pltpu.VMEM((B_CHUNK, 2 * EMB), jnp.float32),
            pltpu.SemaphoreType.DMA,
        ],
    )
    def k(t_hbm, id_hbm, out_hbm, idx_v, rows_v, sem):
        wid = lax.axis_index("s") * NC + lax.axis_index("c")
        for chunk in range(B_PER_W // B_CHUNK):
            base = wid * B_PER_W + chunk * B_CHUNK
            pltpu.sync_copy(id_hbm.at[pl.ds(base, B_CHUNK)], idx_v)
            pltpu.async_copy(t_hbm.at[idx_v], rows_v, sem).wait()
            pltpu.sync_copy(rows_v, out_hbm.at[pl.ds(base, B_CHUNK)])

    return k(table128, ids)


def _sc_gather_linear(table, ids):

    @functools.partial(
        pl.kernel,
        mesh=_MESH,
        out_type=jax.ShapeDtypeStruct((BATCH, EMB), jnp.float32),
        scratch_types=[
            pltpu.VMEM((B_PER_W,), jnp.int32),
            pltpu.VMEM((B_PER_W, EMB), jnp.float32),
            pltpu.SemaphoreType.DMA,
        ],
        compiler_params=pltpu.CompilerParams(use_tc_tiling_on_sc=False),
    )
    def k(t_hbm, id_hbm, out_hbm, idx_v, rows_v, sem):
        wid = lax.axis_index("s") * NC + lax.axis_index("c")
        base = wid * B_PER_W
        pltpu.sync_copy(id_hbm.at[pl.ds(base, B_PER_W)], idx_v)
        pltpu.async_copy(t_hbm.at[idx_v], rows_v, sem).wait()
        pltpu.sync_copy(rows_v, out_hbm.at[pl.ds(base, B_PER_W)])

    return k(table, ids)


def _mlp_body(uf_ref, wm_ref, wfh_ref, bm_ref, bf_ref, out_ref):
    h = jnp.dot(uf_ref[...], wm_ref[...], preferred_element_type=jnp.float32)
    h = jnp.maximum(h + bm_ref[...], 0.0)
    out_ref[...] = (
        jnp.dot(h, wfh_ref[...], preferred_element_type=jnp.float32) + bf_ref[...]
    )


def _final_body(ue_ref, ie_ref, t_ref, wfu_ref, out_ref):
    ue = ue_ref[:, :EMB].astype(jnp.float32)
    ie = ie_ref[...].astype(jnp.float32)
    fused = (
        jnp.dot(ue, wfu_ref[...], preferred_element_type=jnp.float32)
        + t_ref[...]
    )
    out_ref[...] = jnp.sum(fused * ie, axis=1)


def kernel(user_ids, item_ids, user_features, user_table, item_table,
           W_mlp, b_mlp, W_fuse, b_fuse):
    user_ids = user_ids.astype(jnp.int32)
    item_ids = item_ids.astype(jnp.int32)

    wm_t = W_mlp.T
    wfu = W_fuse[:, :EMB].T
    wfh = W_fuse[:, EMB:].T
    bm = b_mlp.reshape(1, EMB)
    bf = b_fuse.reshape(1, EMB)

    BM = 2048
    grid = (BATCH // BM,)

    t = pl.pallas_call(
        _mlp_body,
        grid=grid,
        in_specs=[
            pl.BlockSpec((BM, FEAT), lambda i: (i, 0)),
            pl.BlockSpec((FEAT, EMB), lambda i: (0, 0)),
            pl.BlockSpec((EMB, EMB), lambda i: (0, 0)),
            pl.BlockSpec((1, EMB), lambda i: (0, 0)),
            pl.BlockSpec((1, EMB), lambda i: (0, 0)),
        ],
        out_specs=pl.BlockSpec((BM, EMB), lambda i: (i, 0)),
        out_shape=jax.ShapeDtypeStruct((BATCH, EMB), jnp.float32),
    )(user_features, wm_t, wfh, bm, bf)

    user_emb = _sc_gather_wide(jnp.pad(user_table, ((0, 0), (0, EMB))),
                               user_ids)
    item_emb = _sc_gather_linear(item_table, item_ids)

    out = pl.pallas_call(
        _final_body,
        grid=grid,
        in_specs=[
            pl.BlockSpec((BM, 2 * EMB), lambda i: (i, 0)),
            pl.BlockSpec((BM, EMB), lambda i: (i, 0)),
            pl.BlockSpec((BM, EMB), lambda i: (i, 0)),
            pl.BlockSpec((EMB, EMB), lambda i: (0, 0)),
        ],
        out_specs=pl.BlockSpec((BM,), lambda i: (i,)),
        out_shape=jax.ShapeDtypeStruct((BATCH,), jnp.float32),
    )(user_emb, item_emb, t, wfu)

    return out

# --- scband reference (transcript-rebuilt; emitter-appended) ---
"""Pipeline reference for scband-hybrid-matrix-factorization-model-12592844112219 (READ-ONLY COPY).

The authoritative reference and input builder live on the scoring server;
editing this copy changes nothing except your own understanding.
"""

import jax, jax.numpy as jnp
import numpy as np

NUM_USERS = 1000000
NUM_ITEMS = 1000000
USER_FEATURE_DIM = 128
EMBEDDING_DIM = 64
BATCH = 16384


def setup_inputs(seed: int = 0) -> dict:
    key = jax.random.key(seed)
    ks = jax.random.split(key, 10)
    user_ids = jax.random.randint(ks[0], (BATCH,), 0, NUM_USERS, dtype=jnp.int32).astype(jnp.int64)
    item_ids = jax.random.randint(ks[1], (BATCH,), 0, NUM_ITEMS, dtype=jnp.int32).astype(jnp.int64)
    user_features = jax.random.normal(ks[2], (BATCH, USER_FEATURE_DIM), dtype=jnp.float32)
    # learned parameters
    user_table = jax.random.normal(ks[3], (NUM_USERS, EMBEDDING_DIM), dtype=jnp.float32) * 0.02
    item_table = jax.random.normal(ks[4], (NUM_ITEMS, EMBEDDING_DIM), dtype=jnp.float32) * 0.02
    W_mlp = jax.random.normal(ks[5], (EMBEDDING_DIM, USER_FEATURE_DIM), dtype=jnp.float32) * (1.0 / np.sqrt(USER_FEATURE_DIM))
    b_mlp = jnp.zeros((EMBEDDING_DIM,), dtype=jnp.float32)
    W_fuse = jax.random.normal(ks[6], (EMBEDDING_DIM, 2 * EMBEDDING_DIM), dtype=jnp.float32) * (1.0 / np.sqrt(2 * EMBEDDING_DIM))
    b_fuse = jnp.zeros((EMBEDDING_DIM,), dtype=jnp.float32)
    return {
        "user_ids": user_ids,
        "item_ids": item_ids,
        "user_features": user_features,
        "user_table": user_table,
        "item_table": item_table,
        "W_mlp": W_mlp,
        "b_mlp": b_mlp,
        "W_fuse": W_fuse,
        "b_fuse": b_fuse,
    }


def reference(user_ids, item_ids, user_features, user_table, item_table, W_mlp, b_mlp, W_fuse, b_fuse):
    # embedding lookups (gather)
    user_emb = jnp.take(user_table, user_ids, axis=0)
    item_emb = jnp.take(item_table, item_ids, axis=0)
    # user feature MLP (Linear + ReLU; Dropout is identity in eval mode)
    user_feat_emb = jax.nn.relu(user_features @ W_mlp.T + b_mlp)
    # fusion layer
    fused_in = jnp.concatenate([user_emb, user_feat_emb], axis=1)
    fused_user_emb = fused_in @ W_fuse.T + b_fuse
    # dot product
    dot_product = jnp.sum(fused_user_emb * item_emb, axis=1)
    return dot_product

if __name__ == "__main__":
    import jax
    _d = setup_inputs()
    print(jax.jit(kernel)(*tuple(_d.values())))

</pallas_src>

<mosaic_0001>
#map = affine_map<(d0, d1) -> (0, 0)>
#map1 = affine_map<(d0, d1) -> (0)>
module attributes {stable_mosaic.version = 14 : i64} {
  func.func @k(%arg0: i32, %arg1: i32, %arg2: memref<1000000x64xf32, #tpu.memory_space<hbm>>, %arg3: memref<16384xi32, #tpu.memory_space<hbm>>, %arg4: memref<16384x64xf32, #tpu.memory_space<hbm>>, %arg5: memref<512xi32, #tpu.memory_space<vmem>>, %arg6: memref<512x64xf32, #tpu.memory_space<vmem>>, %arg7: memref<!tpu.dma_semaphore, #tpu.memory_space<semaphore_mem>>) attributes {dimension_semantics = [#tpu.dimension_semantics<core_parallel>, #tpu.dimension_semantics<subcore_parallel>], iteration_bounds = array<i64: 2, 16>, scalar_prefetch = 0 : i64, scratch_operands = 3 : i64, tpu.core_type = #tpu.core_type<sc_vector_subcore>, window_params = [{transform_indices = #map}, {transform_indices = #map1}, {transform_indices = #map}]} {
    %mul3A = arith.constant 2 : i32
    %mul3A_0 = arith.muli %arg1, %mul3A : i32
    %add3A = arith.addi %mul3A_0, %arg0 : i32
    %mul3A_1 = arith.constant 512 : i32
    %mul3A_2 = arith.muli %add3A, %mul3A_1 : i32
    "tpu.region"() ({
      %run_scoped3A = tpu.sem_alloc : memref<!tpu.dma_semaphore, #tpu.memory_space<semaphore_mem>>
      %dma_start3A_7 = tpu.memref_slice %arg3[%mul3A_2] : memref<16384xi32, #tpu.memory_space<hbm>> -> memref<512xi32, #tpu.memory_space<hbm>>
      %dma_start3A_8 = tpu.memref_slice %arg3[%mul3A_2] : memref<16384xi32, #tpu.memory_space<hbm>> -> memref<512xi32, #tpu.memory_space<hbm>>
      tpu.enqueue_dma source(%dma_start3A_8 : memref<512xi32, #tpu.memory_space<hbm>>) target(%arg5 : memref<512xi32, #tpu.memory_space<vmem>>) target_semaphore(%run_scoped3A : memref<!tpu.dma_semaphore, #tpu.memory_space<semaphore_mem>>)
      %dma_wait3A_9 = tpu.memref_slice %arg3[%mul3A_2] : memref<16384xi32, #tpu.memory_space<hbm>> -> memref<512xi32, #tpu.memory_space<hbm>>
      %dma_wait3A_10 = tpu.memref_slice %arg3[%mul3A_2] : memref<16384xi32, #tpu.memory_space<hbm>> -> memref<512xi32, #tpu.memory_space<hbm>>
      tpu.wait_dma2 semaphore(%run_scoped3A : memref<!tpu.dma_semaphore, #tpu.memory_space<semaphore_mem>>) src(%dma_wait3A_10 : memref<512xi32, #tpu.memory_space<hbm>>) dst(%arg5 : memref<512xi32, #tpu.memory_space<vmem>>)
      tpu.yield
    }) : () -> ()
    %dma_start3A = arith.constant 0 : i32
    %dma_start3A_3 = arith.constant 0 : i32
    %dma_start3A_4 = tpu.memref_slice %arg2[%dma_start3A, %dma_start3A_3] : memref<1000000x64xf32, #tpu.memory_space<hbm>> -> memref<1000000x64xf32, #tpu.memory_space<hbm>>
    tpu.enqueue_indirect_dma source(%dma_start3A_4 : memref<1000000x64xf32, #tpu.memory_space<hbm>>) target(%arg6 : memref<512x64xf32, #tpu.memory_space<vmem>>) offsets(%arg5 : memref<512xi32, #tpu.memory_space<vmem>>) semaphore(%arg7 : memref<!tpu.dma_semaphore, #tpu.memory_space<semaphore_mem>>)
    %dma_wait3A = arith.constant 0 : i32
    %dma_wait3A_5 = arith.constant 0 : i32
    %dma_wait3A_6 = tpu.memref_slice %arg2[%dma_wait3A, %dma_wait3A_5] : memref<1000000x64xf32, #tpu.memory_space<hbm>> -> memref<1000000x64xf32, #tpu.memory_space<hbm>>
    tpu.wait_indirect_dma semaphore(%arg7 : memref<!tpu.dma_semaphore, #tpu.memory_space<semaphore_mem>>) src(%dma_wait3A_6 : memref<1000000x64xf32, #tpu.memory_space<hbm>>) dst(%arg6 : memref<512x64xf32, #tpu.memory_space<vmem>>)
    "tpu.region"() ({
      %run_scoped3A = tpu.sem_alloc : memref<!tpu.dma_semaphore, #tpu.memory_space<semaphore_mem>>
      %dma_start3A_7 = arith.constant 0 : i32
      %dma_start3A_8 = tpu.memref_slice %arg4[%mul3A_2, %dma_start3A_7] : memref<16384x64xf32, #tpu.memory_space<hbm>> -> memref<512x64xf32, #tpu.memory_space<hbm>>
      %dma_start3A_9 = arith.constant 0 : i32
      %dma_start3A_10 = tpu.memref_slice %arg4[%mul3A_2, %dma_start3A_9] : memref<16384x64xf32, #tpu.memory_space<hbm>> -> memref<512x64xf32, #tpu.memory_space<hbm>>
      tpu.enqueue_dma source(%arg6 : memref<512x64xf32, #tpu.memory_space<vmem>>) target(%dma_start3A_10 : memref<512x64xf32, #tpu.memory_space<hbm>>) target_semaphore(%run_scoped3A : memref<!tpu.dma_semaphore, #tpu.memory_space<semaphore_mem>>)
      %dma_wait3A_11 = arith.constant 0 : i32
      %dma_wait3A_12 = tpu.memref_slice %arg4[%mul3A_2, %dma_wait3A_11] : memref<16384x64xf32, #tpu.memory_space<hbm>> -> memref<512x64xf32, #tpu.memory_space<hbm>>
      %dma_wait3A_13 = arith.constant 0 : i32
      %dma_wait3A_14 = tpu.memref_slice %arg4[%mul3A_2, %dma_wait3A_13] : memref<16384x64xf32, #tpu.memory_space<hbm>> -> memref<512x64xf32, #tpu.memory_space<hbm>>
      tpu.wait_dma2 semaphore(%run_scoped3A : memref<!tpu.dma_semaphore, #tpu.memory_space<semaphore_mem>>) src(%arg6 : memref<512x64xf32, #tpu.memory_space<vmem>>) dst(%dma_wait3A_14 : memref<512x64xf32, #tpu.memory_space<hbm>>)
      tpu.yield
    }) : () -> ()
    return
  }
}

#map = affine_map<(d0, d1) -> (0, 0)>
#map1 = affine_map<(d0, d1) -> (0)>
module attributes {stable_mosaic.version = 14 : i64} {
  func.func @k(%arg0: i32, %arg1: i32, %arg2: memref<1000000x128xf32, #tpu.memory_space<hbm>>, %arg3: memref<16384xi32, #tpu.memory_space<hbm>>, %arg4: memref<16384x128xf32, #tpu.memory_space<hbm>>, %arg5: memref<512xi32, #tpu.memory_space<vmem>>, %arg6: memref<512x128xf32, #tpu.memory_space<vmem>>, %arg7: memref<!tpu.dma_semaphore, #tpu.memory_space<semaphore_mem>>) attributes {dimension_semantics = [#tpu.dimension_semantics<core_parallel>, #tpu.dimension_semantics<subcore_parallel>], iteration_bounds = array<i64: 2, 16>, scalar_prefetch = 0 : i64, scratch_operands = 3 : i64, tpu.core_type = #tpu.core_type<sc_vector_subcore>, window_params = [{transform_indices = #map}, {transform_indices = #map1}, {transform_indices = #map}]} {
    %mul3A = arith.constant 2 : i32
    %mul3A_0 = arith.muli %arg1, %mul3A : i32
    %add3A = arith.addi %mul3A_0, %arg0 : i32
    %mul3A_1 = arith.constant 512 : i32
    %mul3A_2 = arith.muli %add3A, %mul3A_1 : i32
    %add3A_3 = arith.constant 0 : i32
    %add3A_4 = arith.addi %mul3A_2, %add3A_3 : i32
    "tpu.region"() ({
      %run_scoped3A = tpu.sem_alloc : memref<!tpu.dma_semaphore, #tpu.memory_space<semaphore_mem>>
      %dma_start3A_9 = tpu.memref_slice %arg3[%add3A_4] : memref<16384xi32, #tpu.memory_space<hbm>> -> memref<512xi32, #tpu.memory_space<hbm>>
      %dma_start3A_10 = tpu.memref_slice %arg3[%add3A_4] : memref<16384xi32, #tpu.memory_space<hbm>> -> memref<512xi32, #tpu.memory_space<hbm>>
      tpu.enqueue_dma source(%dma_start3A_10 : memref<512xi32, #tpu.memory_space<hbm>>) target(%arg5 : memref<512xi32, #tpu.memory_space<vmem>>) target_semaphore(%run_scoped3A : memref<!tpu.dma_semaphore, #tpu.memory_space<semaphore_mem>>)
      %dma_wait3A_11 = tpu.memref_slice %arg3[%add3A_4] : memref<16384xi32, #tpu.memory_space<hbm>> -> memref<512xi32, #tpu.memory_space<hbm>>
      %dma_wait3A_12 = tpu.memref_slice %arg3[%add3A_4] : memref<16384xi32, #tpu.memory_space<hbm>> -> memref<512xi32, #tpu.memory_space<hbm>>
      tpu.wait_dma2 semaphore(%run_scoped3A : memref<!tpu.dma_semaphore, #tpu.memory_space<semaphore_mem>>) src(%dma_wait3A_12 : memref<512xi32, #tpu.memory_space<hbm>>) dst(%arg5 : memref<512xi32, #tpu.memory_space<vmem>>)
      tpu.yield
    }) : () -> ()
    %dma_start3A = arith.constant 0 : i32
    %dma_start3A_5 = arith.constant 0 : i32
    %dma_start3A_6 = tpu.memref_slice %arg2[%dma_start3A, %dma_start3A_5] : memref<1000000x128xf32, #tpu.memory_space<hbm>> -> memref<1000000x128xf32, #tpu.memory_space<hbm>>
    tpu.enqueue_indirect_dma source(%dma_start3A_6 : memref<1000000x128xf32, #tpu.memory_space<hbm>>) target(%arg6 : memref<512x128xf32, #tpu.memory_space<vmem>>) offsets(%arg5 : memref<512xi32, #tpu.memory_space<vmem>>) semaphore(%arg7 : memref<!tpu.dma_semaphore, #tpu.memory_space<semaphore_mem>>)
    %dma_wait3A = arith.constant 0 : i32
    %dma_wait3A_7 = arith.constant 0 : i32
    %dma_wait3A_8 = tpu.memref_slice %arg2[%dma_wait3A, %dma_wait3A_7] : memref<1000000x128xf32, #tpu.memory_space<hbm>> -> memref<1000000x128xf32, #tpu.memory_space<hbm>>
    tpu.wait_indirect_dma semaphore(%arg7 : memref<!tpu.dma_semaphore, #tpu.memory_space<semaphore_mem>>) src(%dma_wait3A_8 : memref<1000000x128xf32, #tpu.memory_space<hbm>>) dst(%arg6 : memref<512x128xf32, #tpu.memory_space<vmem>>)
    "tpu.region"() ({
      %run_scoped3A = tpu.sem_alloc : memref<!tpu.dma_semaphore, #tpu.memory_space<semaphore_mem>>
      %dma_start3A_9 = arith.constant 0 : i32
      %dma_start3A_10 = tpu.memref_slice %arg4[%add3A_4, %dma_start3A_9] : memref<16384x128xf32, #tpu.memory_space<hbm>> -> memref<512x128xf32, #tpu.memory_space<hbm>>
      %dma_start3A_11 = arith.constant 0 : i32
      %dma_start3A_12 = tpu.memref_slice %arg4[%add3A_4, %dma_start3A_11] : memref<16384x128xf32, #tpu.memory_space<hbm>> -> memref<512x128xf32, #tpu.memory_space<hbm>>
      tpu.enqueue_dma source(%arg6 : memref<512x128xf32, #tpu.memory_space<vmem>>) target(%dma_start3A_12 : memref<512x128xf32, #tpu.memory_space<hbm>>) target_semaphore(%run_scoped3A : memref<!tpu.dma_semaphore, #tpu.memory_space<semaphore_mem>>)
      %dma_wait3A_13 = arith.constant 0 : i32
      %dma_wait3A_14 = tpu.memref_slice %arg4[%add3A_4, %dma_wait3A_13] : memref<16384x128xf32, #tpu.memory_space<hbm>> -> memref<512x128xf32, #tpu.memory_space<hbm>>
      %dma_wait3A_15 = arith.constant 0 : i32
      %dma_wait3A_16 = tpu.memref_slice %arg4[%add3A_4, %dma_wait3A_15] : memref<16384x128xf32, #tpu.memory_space<hbm>> -> memref<512x128xf32, #tpu.memory_space<hbm>>
      tpu.wait_dma2 semaphore(%run_scoped3A : memref<!tpu.dma_semaphore, #tpu.memory_space<semaphore_mem>>) src(%arg6 : memref<512x128xf32, #tpu.memory_space<vmem>>) dst(%dma_wait3A_16 : memref<512x128xf32, #tpu.memory_space<hbm>>)
      tpu.yield
    }) : () -> ()
    return
  }
}

module attributes {stable_mosaic.version = 14 : i64} {
  func.func @_mlp_body(%arg0: i32, %arg1: memref<2048x128xf32, #tpu.memory_space<vmem>>, %arg2: memref<128x64xf32, #tpu.memory_space<vmem>>, %arg3: memref<64x64xf32, #tpu.memory_space<vmem>>, %arg4: memref<1x64xf32, #tpu.memory_space<vmem>>, %arg5: memref<1x64xf32, #tpu.memory_space<vmem>>, %arg6: memref<2048x64xf32, #tpu.memory_space<vmem>>) attributes {dimension_semantics = [#tpu.dimension_semantics<arbitrary>], iteration_bounds = array<i64: 8>, scalar_prefetch = 0 : i64, scratch_operands = 0 : i64, tpu.core_type = #tpu.core_type<tc>, window_params = [{transform_indices = @transform_0, window_bounds = array<i64: 2048, 128>}, {pipeline_mode = #tpu.pipeline_mode<synchronous>, transform_indices = @transform_1, window_bounds = array<i64: 128, 64>}, {pipeline_mode = #tpu.pipeline_mode<synchronous>, transform_indices = @transform_2, window_bounds = array<i64: 64, 64>}, {pipeline_mode = #tpu.pipeline_mode<synchronous>, transform_indices = @transform_3, window_bounds = array<i64: 1, 64>}, {pipeline_mode = #tpu.pipeline_mode<synchronous>, transform_indices = @transform_4, window_bounds = array<i64: 1, 64>}, {transform_indices = @transform_5, window_bounds = array<i64: 2048, 64>}]} {
    %get3A = arith.constant 0 : index
    %get3A_0 = arith.constant 0 : index
    %get3A_1 = vector.load %arg1[%get3A, %get3A_0] : memref<2048x128xf32, #tpu.memory_space<vmem>>, vector<2048x128xf32>
    %get3A_2 = arith.constant 0 : index
    %get3A_3 = arith.constant 0 : index
    %get3A_4 = vector.load %arg2[%get3A_2, %get3A_3] : memref<128x64xf32, #tpu.memory_space<vmem>>, vector<128x64xf32>
    %dot_general3A = arith.constant dense<0.000000e+00> : vector<2048x64xf32>
    %dot_general3A_5 = tpu.matmul %get3A_1, %get3A_4, %dot_general3A {dimension_numbers = #tpu.dot_dimension_numbers<[1], [0], [0], [1], [0, 0, 1, 1], [], []>, transpose_lhs_hint = false} : vector<2048x128xf32>, vector<128x64xf32>, vector<2048x64xf32> -> vector<2048x64xf32>
    %get3A_6 = arith.constant 0 : index
    %get3A_7 = arith.constant 0 : index
    %get3A_8 = vector.load %arg4[%get3A_6, %get3A_7] : memref<1x64xf32, #tpu.memory_space<vmem>>, vector<1x64xf32>
    %add3A = vector.broadcast %get3A_8 : vector<1x64xf32> to vector<2048x64xf32>
    %add3A_9 = arith.addf %dot_general3A_5, %add3A : vector<2048x64xf32>
    %max3A = arith.constant 0.000000e+00 : f32
    %max3A_10 = vector.broadcast %max3A : f32 to vector<2048x64xf32>
    %max3A_11 = arith.maximumf %add3A_9, %max3A_10 : vector<2048x64xf32>
    %get3A_12 = arith.constant 0 : index
    %get3A_13 = arith.constant 0 : index
    %get3A_14 = vector.load %arg3[%get3A_12, %get3A_13] : memref<64x64xf32, #tpu.memory_space<vmem>>, vector<64x64xf32>
    %dot_general3A_15 = arith.constant dense<0.000000e+00> : vector<2048x64xf32>
    %dot_general3A_16 = tpu.matmul %max3A_11, %get3A_14, %dot_general3A_15 {dimension_numbers = #tpu.dot_dimension_numbers<[1], [0], [0], [1], [0, 0, 1, 1], [], []>, transpose_lhs_hint = false} : vector<2048x64xf32>, vector<64x64xf32>, vector<2048x64xf32> -> vector<2048x64xf32>
    %get3A_17 = arith.constant 0 : index
    %get3A_18 = arith.constant 0 : index
    %get3A_19 = vector.load %arg5[%get3A_17, %get3A_18] : memref<1x64xf32, #tpu.memory_space<vmem>>, vector<1x64xf32>
    %add3A_20 = vector.broadcast %get3A_19 : vector<1x64xf32> to vector<2048x64xf32>
    %add3A_21 = arith.addf %dot_general3A_16, %add3A_20 : vector<2048x64xf32>
    %swap3A = arith.constant 0 : index
    %swap3A_22 = arith.constant 0 : index
    %swap3A_23 = vector.load %arg6[%swap3A, %swap3A_22] : memref<2048x64xf32, #tpu.memory_space<vmem>>, vector<2048x64xf32>
    tpu.vector_store %arg6[%swap3A, %swap3A_22], %add3A_21 {strides = array<i32>} : memref<2048x64xf32, #tpu.memory_space<vmem>>, vector<2048x64xf32>,
    return
  }
  func.func @transform_0(%arg0: i32) -> (i32, i32) {
    %c0_i32 = arith.constant 0 : i32
    %c0_i32_0 = arith.constant 0 : i32
    return %arg0, %c0_i32 : i32, i32
  }
  func.func @transform_1(%arg0: i32) -> (i32, i32) {
    %c0_i32 = arith.constant 0 : i32
    %c0_i32_0 = arith.constant 0 : i32
    %c0_i32_1 = arith.constant 0 : i32
    return %c0_i32, %c0_i32_0 : i32, i32
  }
  func.func @transform_2(%arg0: i32) -> (i32, i32) {
    %c0_i32 = arith.constant 0 : i32
    %c0_i32_0 = arith.constant 0 : i32
    %c0_i32_1 = arith.constant 0 : i32
    return %c0_i32, %c0_i32_0 : i32, i32
  }
  func.func @transform_3(%arg0: i32) -> (i32, i32) {
    %c0_i32 = arith.constant 0 : i32
    %c0_i32_0 = arith.constant 0 : i32
    %c0_i32_1 = arith.constant 0 : i32
    return %c0_i32, %c0_i32_0 : i32, i32
  }
  func.func @transform_4(%arg0: i32) -> (i32, i32) {
    %c0_i32 = arith.constant 0 : i32
    %c0_i32_0 = arith.constant 0 : i32
    %c0_i32_1 = arith.constant 0 : i32
    return %c0_i32, %c0_i32_0 : i32, i32
  }
  func.func @transform_5(%arg0: i32) -> (i32, i32) {
    %c0_i32 = arith.constant 0 : i32
    %c0_i32_0 = arith.constant 0 : i32
    return %arg0, %c0_i32 : i32, i32
  }
}

module attributes {stable_mosaic.version = 14 : i64} {
  func.func @_final_body(%arg0: i32, %arg1: memref<2048x128xf32, #tpu.memory_space<vmem>>, %arg2: memref<2048x64xf32, #tpu.memory_space<vmem>>, %arg3: memref<2048x64xf32, #tpu.memory_space<vmem>>, %arg4: memref<64x64xf32, #tpu.memory_space<vmem>>, %arg5: memref<2048xf32, #tpu.memory_space<vmem>>) attributes {dimension_semantics = [#tpu.dimension_semantics<arbitrary>], iteration_bounds = array<i64: 8>, scalar_prefetch = 0 : i64, scratch_operands = 0 : i64, tpu.core_type = #tpu.core_type<tc>, window_params = [{transform_indices = @transform_0, window_bounds = array<i64: 2048, 128>}, {transform_indices = @transform_1, window_bounds = array<i64: 2048, 64>}, {transform_indices = @transform_2, window_bounds = array<i64: 2048, 64>}, {pipeline_mode = #tpu.pipeline_mode<synchronous>, transform_indices = @transform_3, window_bounds = array<i64: 64, 64>}, {transform_indices = @transform_4, window_bounds = array<i64: 2048>}]} {
    %get3A = arith.constant 0 : index
    %get3A_0 = arith.constant 0 : index
    %get3A_1 = vector.load %arg1[%get3A, %get3A_0] : memref<2048x128xf32, #tpu.memory_space<vmem>>, vector<2048x64xf32>
    %get3A_2 = arith.constant 0 : index
    %get3A_3 = arith.constant 0 : index
    %get3A_4 = vector.load %arg2[%get3A_2, %get3A_3] : memref<2048x64xf32, #tpu.memory_space<vmem>>, vector<2048x64xf32>
    %get3A_5 = arith.constant 0 : index
    %get3A_6 = arith.constant 0 : index
    %get3A_7 = vector.load %arg4[%get3A_5, %get3A_6] : memref<64x64xf32, #tpu.memory_space<vmem>>, vector<64x64xf32>
    %dot_general3A = arith.constant dense<0.000000e+00> : vector<2048x64xf32>
    %dot_general3A_8 = tpu.matmul %get3A_1, %get3A_7, %dot_general3A {dimension_numbers = #tpu.dot_dimension_numbers<[1], [0], [0], [1], [0, 0, 1, 1], [], []>, transpose_lhs_hint = false} : vector<2048x64xf32>, vector<64x64xf32>, vector<2048x64xf32> -> vector<2048x64xf32>
    %get3A_9 = arith.constant 0 : index
    %get3A_10 = arith.constant 0 : index
    %get3A_11 = vector.load %arg3[%get3A_9, %get3A_10] : memref<2048x64xf32, #tpu.memory_space<vmem>>, vector<2048x64xf32>
    %add3A = arith.addf %dot_general3A_8, %get3A_11 : vector<2048x64xf32>
    %mul3A = arith.mulf %add3A, %get3A_4 : vector<2048x64xf32>
    %reduce_sum3A = arith.constant dense<0.000000e+00> : vector<2048xf32>
    %reduce_sum3A_12 = vector.multi_reduction <add>, %mul3A, %reduce_sum3A [1] : vector<2048x64xf32> to vector<2048xf32>
    %swap3A = arith.constant 0 : index
    %swap3A_13 = vector.load %arg5[%swap3A] : memref<2048xf32, #tpu.memory_space<vmem>>, vector<2048xf32>
    tpu.vector_store %arg5[%swap3A], %reduce_sum3A_12 {strides = array<i32>} : memref<2048xf32, #tpu.memory_space<vmem>>, vector<2048xf32>,
    return
  }
  func.func @transform_0(%arg0: i32) -> (i32, i32) {
    %c0_i32 = arith.constant 0 : i32
    %c0_i32_0 = arith.constant 0 : i32
    return %arg0, %c0_i32 : i32, i32
  }
  func.func @transform_1(%arg0: i32) -> (i32, i32) {
    %c0_i32 = arith.constant 0 : i32
    %c0_i32_0 = arith.constant 0 : i32
    return %arg0, %c0_i32 : i32, i32
  }
  func.func @transform_2(%arg0: i32) -> (i32, i32) {
    %c0_i32 = arith.constant 0 : i32
    %c0_i32_0 = arith.constant 0 : i32
    return %arg0, %c0_i32 : i32, i32
  }
  func.func @transform_3(%arg0: i32) -> (i32, i32) {
    %c0_i32 = arith.constant 0 : i32
    %c0_i32_0 = arith.constant 0 : i32
    %c0_i32_1 = arith.constant 0 : i32
    return %c0_i32, %c0_i32_0 : i32, i32
  }
  func.func @transform_4(%arg0: i32) -> i32 {
    %c0_i32 = arith.constant 0 : i32
    return %arg0 : i32
  }
}

</mosaic_0001>

<sc_bundles>
// kernel: kernel.6.cloned.1.call-start
scs
__scs_entry_jumppad:
0x0: {  	(pc) =	sbr.rel $0x88, $3  }
0x1: {  	(tag) =	ssettag $0x0;
	lr =	simm.s32 $0x1  }
0x2: {  	[smem:$0x3F98] =	sst lr;
	_ =	strace $0xD0000000  }
0x3: {  	_ = 	snop  }
0x4: {  	_ = 	snop  }
0x5: {  	_ = 	snop  }
0x6: {  	_ = 	snop  }
0x7: {  	_ = 	snop  }
__scs_overlays_trampoline_lowered:
0x8: {  	[smem:$0x3FA7] =	sst s0  }
0x9: {  	[smem:$0x3FA8] =	sst s1  }
0xa: {  	[smem:$0x3FA9] =	sst s2  }
0xb: {  	[smem:$0x3FAA] =	sst s3  }
0xc: {  	[smem:$0x3FAB] =	sst s4  }
0xd: {  	[smem:$0x3FAC] =	sst s5  }
0xe: {  	[smem:$0x3FAD] =	sst s6  }
0xf: {  	[smem:$0x3FAE] =	sst s7  }
0x10: {  	[smem:$0x3FAF] =	sst s8  }
0x11: {  	[smem:$0x3FB0] =	sst s9;
	s0 =	simm.s32 @!p0 $0x0  }
0x12: {  	s1 =	sld [smem:$0x3F96];
	s0 =	simm.s32 @p0 $0x1  }
0x13: {  	[smem:$0x3FB1] =	sst s0;
	s0 =	simm.s32 @!p1 $0x0  }
0x14: {  	s2 =	sld [smem:$0x3F95];
	s0 =	simm.s32 @p1 $0x1  }
0x15: {  	[smem:$0x3FB2] =	sst s0;
	s0 =	simm.s32 @!p2 $0x0  }
0x16: {  	s3 =	sld [smem:$0x3FDB];
	s0 =	simm.s32 @p2 $0x1  }
0x17: {  	s4 =	simm.s32 $0x1BF5;
	[smem:$0x3FB4] =	sst s0  }
0x18: {  	s0 =	sld [smem:$0x3F97];
	_ =	swait.ge [sflag:s4], $0x0  }
0x19: {  	s7 =	sld [smem:$0x3F98]  }
0x1a: {  	s8 =	sadd.s32 $0xFFFFE003, lr  }
0x1b: {  	s9 =	sadd.s32 $0xFFFFFEF7, lr;
	s5 =	simm.s32 $0xFFFFFFFF;
	p2 =	slt.u32 s8, $0xFFFFF086  }
0x1c: {  	p1 =	slt.u32 s9, $0xF7A;
	s5 =	simm.s32 @!p2 $0x0  }
0x1d: {  	s5 =	simm.s32 @p1 $0x1;
	p0 =	seq.s32 s7, s2  }
0x1e: {  	s7 =	smul.u32 @!p0 $0xF7A, s2;
	p2 =	seq.s32 @!p0 s5, $0x0  }
0x1f: {  	s9 =	smul.u32 $0xF7A, s1;
	s8 =	simm.s32 @!p0 $0x1BF5;
	p2 =	por !p2, p0  }
0x20: {  	[sflag:s8] =	ssyncset.s32 @!p0 $0xFFFFF086;
	s6 =	sadd.s32 @!p0 s3, s7;
	s7 =	simm.s32 @!p0 $0x108  }
0x21: {  	s3 =	sadd.s32 s3, s9;
	s6 =	sadd.s32 @!p0 $0x88, s6;
	s7 =	simm.s32 @p2 $0x1082  }
0x22: {  	[simem:s7], [sflag:s8] =	dma.local @!p0 [hbm:s6], $0xF7A  }
0x23: {  	s9 =	sor.u32 $0xD0000000, s2;
	s6 =	simm.s32 $0x108;
	_ =	swait.ge @!p0 [sflag:s8], $0x0  }
0x24: {  	s3 =	sadd.s32 $0x88, s3;
	s6 =	simm.s32 @!p1 $0x1082;
	[sflag:s4] =	ssyncset.s32 $0xFFFFF086  }
0x25: {  	[simem:s6], [sflag:s4] =	dma.local [hbm:s3], $0xF7A  }
0x26: {  	[smem:$0x3F98] =	sst s1;
	(tag) =	ssettag s2;
	_ =	strace s9  }
0x27: {  	s1 =	sld [smem:$0x3FA8]  }
0x28: {  	s2 =	sld [smem:$0x3FA9]  }
0x29: {  	s4 =	sld [smem:$0x3FAB]  }
0x2a: {  	p0 =	seq.s32 s5, $0x0;
	s5 =	sld [smem:$0x3FAC]  }
0x2b: {  	s6 =	sld [smem:$0x3FAD]  }
0x2c: {  	s7 =	sld [smem:$0x3FAE]  }
0x2d: {  	s3 =	simm.s32 $0x108;
	s8 =	sld [smem:$0x3FAF]  }
0x2e: {  	s3 =	simm.s32 @!p0 $0x1082;
	s9 =	sld [smem:$0x3FB0]  }
0x2f: {  	lr =	sadd.s32 s0, s3;
	s0 =	sld [smem:$0x3FA7]  }
0x30: {  	s3 =	sld [smem:$0x3FAA]  }
0x31: {  	[smem:$0x3FB3] =	sst s10  }
0x32: {  	s10 =	sld [smem:$0x3FB1];
	_ =	sdelay $0x3  }
0x33: {  	p0 =	seq.s32 s10, $0x1;
	s10 =	sld [smem:$0x3FB3];
	_ =	sdelay $0x3  }
0x34: {  	[smem:$0x3FB3] =	sst s10  }
0x35: {  	s10 =	sld [smem:$0x3FB2];
	_ =	sdelay $0x3  }
0x36: {  	p1 =	seq.s32 s10, $0x1;
	s10 =	sld [smem:$0x3FB3];
	_ =	sdelay $0x3  }
0x37: {  	[smem:$0x3FB3] =	sst s10  }
0x38: {  	s10 =	sld [smem:$0x3FB4]  }
0x39: {  	_ = 	snop;
	(pc) =	sbr.ind lr, $3  }
0x3a: {  	_ = 	snop  }
0x3b: {  	_ = 	snop  }
0x3c: {  	p2 =	seq.s32 s10, $0x1;
	s10 =	sld [smem:$0x3FB3]  }
0x3d: {  	_ =	shalt  }
0x3e: {  	_ =	shalt  }
0x3f: {  	_ =	shalt  }
0x40: {  	_ =	shalt  }
0x41: {  	_ =	shalt  }
0x42: {  	_ =	shalt  }
0x43: {  	_ =	shalt  }
0x44: {  	_ =	shalt  }
0x45: {  	_ =	shalt  }
0x46: {  	_ =	shalt  }
0x47: {  	_ =	shalt  }
0x48: {  	_ =	shalt  }
0x49: {  	_ =	shalt  }
0x4a: {  	_ =	shalt  }
0x4b: {  	_ =	shalt  }
0x4c: {  	_ =	shalt  }
0x4d: {  	_ =	shalt  }
0x4e: {  	_ =	shalt  }
0x4f: {  	_ =	shalt  }
0x50: {  	_ =	shalt  }
0x51: {  	_ =	shalt  }
0x52: {  	_ =	shalt  }
0x53: {  	_ =	shalt  }
0x54: {  	_ =	shalt  }
0x55: {  	_ =	shalt  }
0x56: {  	_ =	shalt  }
0x57: {  	_ =	shalt  }
0x58: {  	_ =	shalt  }
0x59: {  	_ =	shalt  }
0x5a: {  	_ =	shalt  }
0x5b: {  	_ =	shalt  }
0x5c: {  	_ =	shalt  }
0x5d: {  	_ =	shalt  }
0x5e: {  	_ =	shalt  }
0x5f: {  	_ =	shalt  }
0x60: {  	_ =	shalt  }
0x61: {  	_ =	shalt  }
0x62: {  	_ =	shalt  }
0x63: {  	_ =	shalt  }
0x64: {  	_ =	shalt  }
0x65: {  	_ =	shalt  }
0x66: {  	_ =	shalt  }
0x67: {  	_ =	shalt  }
0x68: {  	_ =	shalt  }
0x69: {  	_ =	shalt  }
0x6a: {  	_ =	shalt  }
0x6b: {  	_ =	shalt  }
0x6c: {  	_ =	shalt  }
0x6d: {  	_ =	shalt  }
0x6e: {  	_ =	shalt  }
0x6f: {  	_ =	shalt  }
0x70: {  	_ =	shalt  }
0x71: {  	_ =	shalt  }
0x72: {  	_ =	shalt  }
0x73: {  	_ =	shalt  }
0x74: {  	_ =	shalt  }
0x75: {  	_ =	shalt  }
0x76: {  	_ =	shalt  }
0x77: {  	_ =	shalt  }
0x78: {  	_ =	shalt  }
0x79: {  	_ =	shalt  }
0x7a: {  	_ =	shalt  }
0x7b: {  	_ =	shalt  }
0x7c: {  	_ =	shalt  }
0x7d: {  	_ =	shalt  }
0x7e: {  	_ =	shalt  }
0x7f: {  	_ =	shalt  }
0x80: {  	_ =	shalt  }
0x81: {  	_ =	shalt  }
0x82: {  	_ =	shalt  }
0x83: {  	_ =	shalt  }
0x84: {  	_ =	shalt  }
0x85: {  	_ =	shalt  }
0x86: {  	_ =	shalt  }
0x87: {  	_ =	shalt  }
.Lfunc_end0:
.L_simem_size_0:
called_computation_lowered:
.L_overlay_start_0:
0x88: {  	s2 =	sld [smem:$0x3FD9]  }
0x89: {  	s3 =	sld [smem:$0x3FFE];
	_ =	sdelay $0x1  }
0x8a: {  	s1 =	srdreg.scid  }
0x8b: {  	s0 =	sand.u32 $0x1, s1  }
0x8c: {  	s17 =	sshll.u32 s0, $0xA;
	s2 =	sadd.s32 s3, s2  }
0x8d: {  	s2 =	sadd.s32 s2, s17  }
0x8e: {  	[smem:$0x3FBF] =	sst s2  }
0x8f: {  	_ = 	snop  }
0x90: {  	s18 =	sld [smem:$0x3FC9];
	(tm) =	ssettm $0x1  }
0x91: {  	s19 =	sld [smem:$0x3FFB];
	_ =	sdelay $0x3  }
0x92: {  	_ =	strace s19  }
0x93: {  	s2 =	sld [smem:$0x3FFC];
	_ =	sdelay $0x3  }
0x94: {  	_ =	strace s2  }
0x95: {  	s2 =	sld [smem:$0x3FFD];
	_ =	sdelay $0x3  }
0x96: {  	_ =	strace s2  }
0x97: {  	_ =	strace $0x8FFFFFFF  }
0x98: {  	s20 =	sld [smem:$0x3FDB];
	_ =	sdelay $0x1  }
0x99: {  	s4 =	simm.s32 $_scs_section_size  }
0x9a: {  	s5 =	simm.s32 $_size__tile_overlayer_lowered;
	s6 =	simm.s32 $_tile_overlayer_lowered  }
0x9b: {  	s7 =	simm.s32 $0x1BFF;
	s21 =	sshll.u32 s6, $0x1;
	s4 =	sadd.s32 s4, s20  }
0x9c: {  	s22 =	simm.s32 $0x0;
	s5 =	sshll.u32 s5, $0x1;
	s6 =	sadd.s32 s21, s4  }
0x9d: {  	[timem:s22], [sflag:s7] =	dma.local [hbm:s6], s5  }
0x9e: {  	_ =	swait.ge [sflag:s7], s5  }
0x9f: {  	s5 =	ssub.s32 $0x0, s5;
	[sflag:s7] =	ssyncset.done $0x0  }
0xa0: {  	[sflag:s7] =	ssyncadd.s32 s5;
	_ =	sdelay $0x1  }
0xa1: {  	s23 =	simm.s32 $0x1B8B  }
0xa2: {  	_ =	swait.ge [sflag:s23], $0x1  }
0xa3: {  	[sflag:s23] =	ssyncset.done $0x0  }
0xa4: {  	[sflag:s23] =	ssyncadd.s32 $0xFFFFFFFF  }
0xa5: {  	s5 =	sld [smem:$0x0]  }
0xa6: {  	s6 =	sand.u32 $0xFFFFFFFE, s1  }
0xa7: {  	p0 =	sne.s32 s1, s6  }
0xa8: {  	s6 =	sshll.u32 @p0 s6, $0xE  }
0xa9: {  	s6 =	sadd.s32 @p0 $0x11B8D, s6;
	s7 =	sshll.u32 @p0 s5, $0x11  }
0xaa: {  	s6 =	sor.u32 @p0 s7, s6  }
0xab: {  	[sflag:s6] =	ssyncadd.remote.s32 @p0 $0x1;
	_ =	sdelay $0x1  }
0xac: {  	s6 =	simm.s32 @p0 $0x1B8D  }
0xad: {  	_ =	swait.eq @p0 [sflag:s6], $0x1  }
0xae: {  	[sflag:s6] =	ssyncadd.s32 @p0 $0xFFFFFFFF  }
0xaf: {  	s7 =	sshll.u32 @!p0 s1, $0xE  }
0xb0: {  	s7 =	sor.u32 @!p0 $0x4000, s7;
	s6 =	simm.s32 @!p0 $0x1B8D  }
0xb1: {  	s5 =	sshll.u32 @!p0 s5, $0x11;
	s7 =	sadd.s32 @!p0 $0x11B8D, s7;
	_ =	swait.eq @!p0 [sflag:s6], $0x1  }
0xb2: {  	s5 =	sor.u32 @!p0 s5, s7;
	[sflag:s6] =	ssyncadd.s32 @!p0 $0xFFFFFFFF  }
0xb3: {  	s25 =	simm.s32 $0x1B8E;
	s24 =	sld [smem:$0x3FFE];
	[sflag:s5] =	ssyncadd.remote.s32 @!p0 $0x1  }
0xb4: {  	s26 =	simm.s32 $execute0_lowered;
	[smem:$0x3FD2] =	sst s25  }
0xb5: {  	s6 =	sshll.u32 s26, $0x1;
	_ =	strace $0x80000049;
	[dreg:$0x1] =	wrdreg $0xFFFFFFFF  }
0xb6: {  	s28 =	simm.s32 $_size_execute0_lowered;
	s4 =	sadd.s32 s4, s6;
	[dreg:$0x0] =	wrdreg $0x0  }
0xb7: {  	s6 =	sshll.u32 s28, $0x1;
	[dreg:$0x2] =	wrdreg s4  }
0xb8: {  	[dreg:$0x3] =	wrdreg s6  }
0xb9: {  	[dreg:$0x4] =	wrdreg $0xC0  }
0xba: {  	_ =	task [dreg:s22], $0x5FFFF  }
0xbb: {  	[dreg:$0x1] =	wrdreg $0xFFFFFFFF  }
0xbc: {  	[dreg:$0x0] =	wrdreg $0x60  }
0xbd: {  	[dreg:$0x2] =	wrdreg s24  }
0xbe: {  	[dreg:$0x3] =	wrdreg s18  }
0xbf: {  	[dreg:$0x4] =	wrdreg $0x9  }
0xc0: {  	_ =	task.clear_ibuf [dreg:s22], $0x5FFFF;
	_ =	strace $0x90000049  }
0xc1: {  	s29 =	simm.s32 $0x9;
	_ =	strace $0x8000004B  }
0xc2: {  	_ =	swait.ge [sflag:s29], $0x1  }
0xc3: {  	[sflag:s29] =	ssyncadd.s32 $0xFFFFFFFF  }
0xc4: {  	_ =	strace $0x9000004B  }
0xc5: {  	_ =	sfence  }
0xc6: {  	s30 =	sld [smem:$0x0];
	_ =	sdelay $0x2  }
0xc7: {  	s31 =	sshll.u32 s1, $0xD;
	s1 =	sshrl.u32 s1, $0x2  }
0xc8: {  	s4 =	sand.u32 $0x4000, s31;
	s1 =	sadd.s32 s1, s30  }
0xc9: {  	s0 =	sor.u32 s4, s0;
	s1 =	sshll.u32 s1, $0x11  }
0xca: {  	s0 =	sor.u32 s1, s0  }
0xcb: {  	s0 =	sadd.s32 $0x8F2B, s0  }
0xcc: {  	[sflag:s0] =	ssyncadd.remote.s32 $0x1  }
0xcd: {  	_ =	sfence.sel $0xFFFF  }
0xce: {  	[dreg:$0x0] =	wrdreg $0xFFFFFFFF;
	(pc) =	sbr.abs _section_cstart, $3  }
0xcf: {  	[dreg:$0x1] =	wrdreg $0xFFFFFFFF  }
0xd0: {  	_ =	task.clear_ibuf [dreg:s22], $0x2FFFF;
	_ =	strace $0x9FFFFFFF  }
0xd1: {  	(tm) =	ssettm $0x7FFFFFFF  }
tec
execute0_lowered:
.L_overlay_start_1:
0x0: {  	(tag) =	ssettag $0x1  }
0x1: {  	s1 =	srdreg.scid  }
0x2: {  	s8 =	rddreg [dreg:$0x0];
	s0 =	stileid.u32  }
0x3: {  	s3 =	rddreg [dreg:$0x1];
	s2 =	simm.s32 $0x0;
	s6 =	sand.u32 $0x1, s1  }
0x4: {  	s4 =	sshll.u32 s0, $0xA;
	s1 =	rddreg [dreg:$0x2];
	s5 =	sshll.u32 s6, $0x9  }
0x5: {  	s7 =	simm.s32 $0x1;
	[smem:$0x7FF] =	sst s2;
	s9 =	sor.u32 s5, s4  }
0x6: {  	_ =	strace $0x8000004A;
	s10 =	ssub.s32 $0x2, s6;
	s4 =	sshrl.u32 s9, $0x3  }
0x7: {  	s6 =	simm.s32 $0x200;
	s4 =	sadd.s32 s3, s4;
	s3 =	simm.s32 $0x2  }
0x8: {  	[tilespmem:s2], [sflag:$0x2] =	stream.linear.gather [hbm4b:s4+s2], $0x200, $0x38;
	[tilespmem:$0x10200] =	vst v63  }
0x9: {  	s5 =	sadd.s32 $0x2627200, s8;
	s11 =	sshrl.u32 s10, $0x1;
	_ =	swait.ge [sflag:s3], $0x200  }
0xa: {  	s9 =	sshll.u32 s9, $0x4;
	s31 =	ssub.s32 s10, s11;
	[sflag:s3] =	ssyncset.done $0x0  }
0xb: {  	s8 =	sadd.s32 s9, s8;
	s9 =	smax.u32 s31, $0x1;
	[sflag:s3] =	ssyncadd.s32 $0xFFFFFE00  }
0xc: {  	[tilespmem:s6], [sflag:$0x1] =	stream.indirect.gather [hbm4b:s5+s6], $0x80, s2, s6, $0xb8;
	[tilespmem:$0x10200] =	vst v63  }
0xd: {  	p0 =	sne.s32 s9, $0x1;
	_ =	swait.ge [sflag:s7], $0x10000  }
.Ltmp0:
0xe: {  	[sflag:s7] =	ssyncset.done $0x0;
	(pc) =	sbr.rel @!p0 .LBB2_2-.Ltmp0, $4  }
0xf: {  	s8 =	sadd.s32 $0x21800, s8;
	[sflag:s7] =	ssyncadd.s32 $0xFFFF0000  }
0x10: {  	[hbm4b:s8+s2] =	stream.linear.scatter [tilespmem:s6], [sflag:$0x2], $0x10000, $0x38;
	[tilespmem:$0x10200] =	vst v63  }
0x11: {  	_ =	swait.ge [sflag:s3], $0x10000  }
0x12: {  	s9 =	sadd.s32 $0xFFFFFFFF, s9;
	[sflag:s3] =	ssyncset.done $0x0  }
.LBB2_1:
0x13: {  	p0 =	sne.s32 s9, $0x1;
	s9 =	sadd.s32 $0xFFFFFFFF, s9;
	[sflag:s3] =	ssyncadd.s32 $0xFFFF0000  }
0x14: {  	[tilespmem:s2], [sflag:$0x2] =	stream.linear.gather [hbm4b:s4+s2], $0x200, $0x38;
	[tilespmem:$0x10200] =	vst v63  }
0x15: {  	_ =	swait.ge [sflag:s3], $0x200  }
0x16: {  	[sflag:s3] =	ssyncset.done $0x0  }
0x17: {  	[sflag:s3] =	ssyncadd.s32 $0xFFFFFE00  }
0x18: {  	[tilespmem:s6], [sflag:$0x1] =	stream.indirect.gather [hbm4b:s5+s6], $0x80, s2, s6, $0xb8;
	[tilespmem:$0x10200] =	vst v63  }
0x19: {  	_ =	swait.ge [sflag:s7], $0x10000  }
.Ltmp1:
0x1a: {  	[sflag:s7] =	ssyncset.done $0x0;
	(pc) =	sbr.rel @p0 .LBB2_1-.Ltmp1, $4  }
0x1b: {  	[sflag:s7] =	ssyncadd.s32 $0xFFFF0000  }
0x1c: {  	[hbm4b:s8+s2] =	stream.linear.scatter [tilespmem:s6], [sflag:$0x2], $0x10000, $0x38;
	[tilespmem:$0x10200] =	vst v63  }
0x1d: {  	_ =	swait.ge [sflag:s3], $0x10000  }
0x1e: {  	[sflag:s3] =	ssyncset.done $0x0  }
.LBB2_2:
0x1f: {  	[sflag:s3] =	ssyncadd.s32 $0xFFFF0000  }
0x20: {  	_ =	sfence.sel $0x180000  }
0x21: {  	[bflag:$0x0] =	sbarrier.arrive $0xFFFF  }
0x22: {  	p0 =	sne.s32 s0, $0x0;
	_ =	strace $0x9000004A  }
0x23: {  	s0 =	sadd.s32 @!p0 $0x100000, s1;
	[bflag:$0x2] =	sbarrier.arrive $0xFFFF  }
0x24: {  	[sflag:s0] =	ssyncadd.tile.s32 @!p0 $0x1;
	_ =	shalt  }
.Lfunc_end2:
_tile_overlayer_lowered:
.L_overlay_start_2:
0x25: {  	(tag) =	ssettag $0x2  }
0x26: {  	s0 =	rddreg [dreg:$0x0];
	s2 =	stileid.u32  }
0x27: {  	s1 =	rddreg [dreg:$0x1];
	p0 =	sne.s32 s2, $0x0  }
0x28: {  	s3 =	rddreg [dreg:$0x2];
	[bflag:$0x3] =	sbarrier.arrive $0xFFFF;
	s2 =	simm.s32 @!p0 $0x1C02  }
0x29: {  	[timem:s3], [sflag:s2] =	dma.local @!p0 [hbm:s0], s1  }
0x2a: {  	s0 =	simm.s32 @!p0 $0x2  }
0x2b: {  	_ =	swait.ge @!p0 [sflag:s0], s1  }
0x2c: {  	s1 =	ssub.s32 @!p0 $0x0, s1;
	[sflag:s0] =	ssyncset.done @!p0 $0x0  }
0x2d: {  	[sflag:s0] =	ssyncadd.s32 @!p0 s1  }
0x2e: {  	[bflag:$0x3] =	sbarrier.arrive $0xFFFF  }
0x2f: {  	_ =	shalt  }

// kernel: kernel.9.cloned.1.call-start
scs
__scs_entry_jumppad:
0x0: {  	(pc) =	sbr.rel $0x88, $3  }
0x1: {  	(tag) =	ssettag $0x0;
	lr =	simm.s32 $0x1  }
0x2: {  	[smem:$0x3F98] =	sst lr;
	_ =	strace $0xD0000000  }
0x3: {  	_ = 	snop  }
0x4: {  	_ = 	snop  }
0x5: {  	_ = 	snop  }
0x6: {  	_ = 	snop  }
0x7: {  	_ = 	snop  }
__scs_overlays_trampoline_lowered:
0x8: {  	[smem:$0x3FA7] =	sst s0  }
0x9: {  	[smem:$0x3FA8] =	sst s1  }
0xa: {  	[smem:$0x3FA9] =	sst s2  }
0xb: {  	[smem:$0x3FAA] =	sst s3  }
0xc: {  	[smem:$0x3FAB] =	sst s4  }
0xd: {  	[smem:$0x3FAC] =	sst s5  }
0xe: {  	[smem:$0x3FAD] =	sst s6  }
0xf: {  	[smem:$0x3FAE] =	sst s7  }
0x10: {  	[smem:$0x3FAF] =	sst s8  }
0x11: {  	[smem:$0x3FB0] =	sst s9;
	s0 =	simm.s32 @!p0 $0x0  }
0x12: {  	s1 =	sld [smem:$0x3F96];
	s0 =	simm.s32 @p0 $0x1  }
0x13: {  	[smem:$0x3FB1] =	sst s0;
	s0 =	simm.s32 @!p1 $0x0  }
0x14: {  	s2 =	sld [smem:$0x3F95];
	s0 =	simm.s32 @p1 $0x1  }
0x15: {  	[smem:$0x3FB2] =	sst s0;
	s0 =	simm.s32 @!p2 $0x0  }
0x16: {  	s3 =	sld [smem:$0x3FDB];
	s0 =	simm.s32 @p2 $0x1  }
0x17: {  	s4 =	simm.s32 $0x1BF5;
	[smem:$0x3FB4] =	sst s0  }
0x18: {  	s0 =	sld [smem:$0x3F97];
	_ =	swait.ge [sflag:s4], $0x0  }
0x19: {  	s7 =	sld [smem:$0x3F98]  }
0x1a: {  	s8 =	sadd.s32 $0xFFFFE003, lr  }
0x1b: {  	s9 =	sadd.s32 $0xFFFFFEF7, lr;
	s5 =	simm.s32 $0xFFFFFFFF;
	p2 =	slt.u32 s8, $0xFFFFF086  }
0x1c: {  	p1 =	slt.u32 s9, $0xF7A;
	s5 =	simm.s32 @!p2 $0x0  }
0x1d: {  	s5 =	simm.s32 @p1 $0x1;
	p0 =	seq.s32 s7, s2  }
0x1e: {  	s7 =	smul.u32 @!p0 $0xF7A, s2;
	p2 =	seq.s32 @!p0 s5, $0x0  }
0x1f: {  	s9 =	smul.u32 $0xF7A, s1;
	s8 =	simm.s32 @!p0 $0x1BF5;
	p2 =	por !p2, p0  }
0x20: {  	[sflag:s8] =	ssyncset.s32 @!p0 $0xFFFFF086;
	s6 =	sadd.s32 @!p0 s3, s7;
	s7 =	simm.s32 @!p0 $0x108  }
0x21: {  	s3 =	sadd.s32 s3, s9;
	s6 =	sadd.s32 @!p0 $0x88, s6;
	s7 =	simm.s32 @p2 $0x1082  }
0x22: {  	[simem:s7], [sflag:s8] =	dma.local @!p0 [hbm:s6], $0xF7A  }
0x23: {  	s9 =	sor.u32 $0xD0000000, s2;
	s6 =	simm.s32 $0x108;
	_ =	swait.ge @!p0 [sflag:s8], $0x0  }
0x24: {  	s3 =	sadd.s32 $0x88, s3;
	s6 =	simm.s32 @!p1 $0x1082;
	[sflag:s4] =	ssyncset.s32 $0xFFFFF086  }
0x25: {  	[simem:s6], [sflag:s4] =	dma.local [hbm:s3], $0xF7A  }
0x26: {  	[smem:$0x3F98] =	sst s1;
	(tag) =	ssettag s2;
	_ =	strace s9  }
0x27: {  	s1 =	sld [smem:$0x3FA8]  }
0x28: {  	s2 =	sld [smem:$0x3FA9]  }
0x29: {  	s4 =	sld [smem:$0x3FAB]  }
0x2a: {  	p0 =	seq.s32 s5, $0x0;
	s5 =	sld [smem:$0x3FAC]  }
0x2b: {  	s6 =	sld [smem:$0x3FAD]  }
0x2c: {  	s7 =	sld [smem:$0x3FAE]  }
0x2d: {  	s3 =	simm.s32 $0x108;
	s8 =	sld [smem:$0x3FAF]  }
0x2e: {  	s3 =	simm.s32 @!p0 $0x1082;
	s9 =	sld [smem:$0x3FB0]  }
0x2f: {  	lr =	sadd.s32 s0, s3;
	s0 =	sld [smem:$0x3FA7]  }
0x30: {  	s3 =	sld [smem:$0x3FAA]  }
0x31: {  	[smem:$0x3FB3] =	sst s10  }
0x32: {  	s10 =	sld [smem:$0x3FB1];
	_ =	sdelay $0x3  }
0x33: {  	p0 =	seq.s32 s10, $0x1;
	s10 =	sld [smem:$0x3FB3];
	_ =	sdelay $0x3  }
0x34: {  	[smem:$0x3FB3] =	sst s10  }
0x35: {  	s10 =	sld [smem:$0x3FB2];
	_ =	sdelay $0x3  }
0x36: {  	p1 =	seq.s32 s10, $0x1;
	s10 =	sld [smem:$0x3FB3];
	_ =	sdelay $0x3  }
0x37: {  	[smem:$0x3FB3] =	sst s10  }
0x38: {  	s10 =	sld [smem:$0x3FB4]  }
0x39: {  	_ = 	snop;
	(pc) =	sbr.ind lr, $3  }
0x3a: {  	_ = 	snop  }
0x3b: {  	_ = 	snop  }
0x3c: {  	p2 =	seq.s32 s10, $0x1;
	s10 =	sld [smem:$0x3FB3]  }
0x3d: {  	_ =	shalt  }
0x3e: {  	_ =	shalt  }
0x3f: {  	_ =	shalt  }
0x40: {  	_ =	shalt  }
0x41: {  	_ =	shalt  }
0x42: {  	_ =	shalt  }
0x43: {  	_ =	shalt  }
0x44: {  	_ =	shalt  }
0x45: {  	_ =	shalt  }
0x46: {  	_ =	shalt  }
0x47: {  	_ =	shalt  }
0x48: {  	_ =	shalt  }
0x49: {  	_ =	shalt  }
0x4a: {  	_ =	shalt  }
0x4b: {  	_ =	shalt  }
0x4c: {  	_ =	shalt  }
0x4d: {  	_ =	shalt  }
0x4e: {  	_ =	shalt  }
0x4f: {  	_ =	shalt  }
0x50: {  	_ =	shalt  }
0x51: {  	_ =	shalt  }
0x52: {  	_ =	shalt  }
0x53: {  	_ =	shalt  }
0x54: {  	_ =	shalt  }
0x55: {  	_ =	shalt  }
0x56: {  	_ =	shalt  }
0x57: {  	_ =	shalt  }
0x58: {  	_ =	shalt  }
0x59: {  	_ =	shalt  }
0x5a: {  	_ =	shalt  }
0x5b: {  	_ =	shalt  }
0x5c: {  	_ =	shalt  }
0x5d: {  	_ =	shalt  }
0x5e: {  	_ =	shalt  }
0x5f: {  	_ =	shalt  }
0x60: {  	_ =	shalt  }
0x61: {  	_ =	shalt  }
0x62: {  	_ =	shalt  }
0x63: {  	_ =	shalt  }
0x64: {  	_ =	shalt  }
0x65: {  	_ =	shalt  }
0x66: {  	_ =	shalt  }
0x67: {  	_ =	shalt  }
0x68: {  	_ =	shalt  }
0x69: {  	_ =	shalt  }
0x6a: {  	_ =	shalt  }
0x6b: {  	_ =	shalt  }
0x6c: {  	_ =	shalt  }
0x6d: {  	_ =	shalt  }
0x6e: {  	_ =	shalt  }
0x6f: {  	_ =	shalt  }
0x70: {  	_ =	shalt  }
0x71: {  	_ =	shalt  }
0x72: {  	_ =	shalt  }
0x73: {  	_ =	shalt  }
0x74: {  	_ =	shalt  }
0x75: {  	_ =	shalt  }
0x76: {  	_ =	shalt  }
0x77: {  	_ =	shalt  }
0x78: {  	_ =	shalt  }
0x79: {  	_ =	shalt  }
0x7a: {  	_ =	shalt  }
0x7b: {  	_ =	shalt  }
0x7c: {  	_ =	shalt  }
0x7d: {  	_ =	shalt  }
0x7e: {  	_ =	shalt  }
0x7f: {  	_ =	shalt  }
0x80: {  	_ =	shalt  }
0x81: {  	_ =	shalt  }
0x82: {  	_ =	shalt  }
0x83: {  	_ =	shalt  }
0x84: {  	_ =	shalt  }
0x85: {  	_ =	shalt  }
0x86: {  	_ =	shalt  }
0x87: {  	_ =	shalt  }
.Lfunc_end0:
.L_simem_size_0:
called_computation.1_lowered:
.L_overlay_start_0:
0x88: {  	s2 =	sld [smem:$0x3FD9]  }
0x89: {  	s3 =	sld [smem:$0x3FFE];
	_ =	sdelay $0x1  }
0x8a: {  	s1 =	srdreg.scid  }
0x8b: {  	s0 =	sand.u32 $0x1, s1  }
0x8c: {  	s17 =	sshll.u32 s0, $0xA;
	s2 =	sadd.s32 s3, s2  }
0x8d: {  	s2 =	sadd.s32 s2, s17  }
0x8e: {  	[smem:$0x3FBF] =	sst s2  }
0x8f: {  	_ = 	snop  }
0x90: {  	s2 =	sld [smem:$0x3FC8];
	(tm) =	ssettm $0x1  }
0x91: {  	s18 =	sld [smem:$0x3FFB];
	_ =	sdelay $0x3  }
0x92: {  	_ =	strace s18  }
0x93: {  	s3 =	sld [smem:$0x3FFC];
	_ =	sdelay $0x3  }
0x94: {  	_ =	strace s3  }
0x95: {  	s3 =	sld [smem:$0x3FFD];
	_ =	sdelay $0x3  }
0x96: {  	_ =	strace s3  }
0x97: {  	_ =	strace $0x8FFFFFFF  }
0x98: {  	s19 =	sld [smem:$0x3FDB];
	_ =	sdelay $0x1  }
0x99: {  	s4 =	simm.s32 $_scs_section_size  }
0x9a: {  	s5 =	simm.s32 $_size__tile_overlayer_lowered;
	s6 =	simm.s32 $_tile_overlayer_lowered  }
0x9b: {  	s22 =	simm.s32 $0x1BFF;
	s21 =	sshll.u32 s6, $0x1;
	s3 =	sadd.s32 s4, s19  }
0x9c: {  	s7 =	simm.s32 $0x0;
	s20 =	sshll.u32 s5, $0x1;
	s5 =	sadd.s32 s21, s3  }
0x9d: {  	[timem:s7], [sflag:s22] =	dma.local [hbm:s5], s20  }
0x9e: {  	_ =	swait.ge [sflag:s22], s20  }
0x9f: {  	s4 =	ssub.s32 $0x0, s20;
	[sflag:s22] =	ssyncset.done $0x0  }
0xa0: {  	[sflag:s22] =	ssyncadd.s32 s4;
	_ =	sdelay $0x1  }
0xa1: {  	s23 =	simm.s32 $0x1B8B  }
0xa2: {  	_ =	swait.ge [sflag:s23], $0x1  }
0xa3: {  	[sflag:s23] =	ssyncset.done $0x0  }
0xa4: {  	s25 =	simm.s32 $0x1B8E;
	s24 =	sld [smem:$0x3FFE];
	[sflag:s23] =	ssyncadd.s32 $0xFFFFFFFF  }
0xa5: {  	s26 =	simm.s32 $execute0_lowered;
	[smem:$0x3FD2] =	sst s25  }
0xa6: {  	s5 =	sshll.u32 s26, $0x1;
	_ =	strace $0x80000046;
	[dreg:$0x1] =	wrdreg $0xFFFFFFFF  }
0xa7: {  	s28 =	simm.s32 $_size_execute0_lowered;
	s3 =	sadd.s32 s3, s5;
	[dreg:$0x0] =	wrdreg $0x0  }
0xa8: {  	s5 =	sshll.u32 s28, $0x1;
	[dreg:$0x2] =	wrdreg s3  }
0xa9: {  	[dreg:$0x3] =	wrdreg s5  }
0xaa: {  	[dreg:$0x4] =	wrdreg $0xC0  }
0xab: {  	_ =	task [dreg:s7], $0x5FFFF  }
0xac: {  	[dreg:$0x1] =	wrdreg $0xFFFFFFFF  }
0xad: {  	[dreg:$0x0] =	wrdreg $0x60  }
0xae: {  	[dreg:$0x2] =	wrdreg s24  }
0xaf: {  	[dreg:$0x3] =	wrdreg s2  }
0xb0: {  	[dreg:$0x4] =	wrdreg $0xA  }
0xb1: {  	_ =	task.clear_ibuf [dreg:s7], $0x5FFFF;
	_ =	strace $0x90000046  }
0xb2: {  	s29 =	simm.s32 $0xA;
	_ =	strace $0x80000048  }
0xb3: {  	_ =	swait.ge [sflag:s29], $0x1  }
0xb4: {  	[sflag:s29] =	ssyncadd.s32 $0xFFFFFFFF  }
0xb5: {  	_ =	strace $0x90000048  }
0xb6: {  	_ =	sfence  }
0xb7: {  	s30 =	sld [smem:$0x0];
	_ =	sdelay $0x2  }
0xb8: {  	s31 =	sshll.u32 s1, $0xD;
	s1 =	sshrl.u32 s1, $0x2  }
0xb9: {  	s3 =	sand.u32 $0x4000, s31;
	s1 =	sadd.s32 s1, s30  }
0xba: {  	s0 =	sor.u32 s3, s0;
	s1 =	sshll.u32 s1, $0x11  }
0xbb: {  	s0 =	sor.u32 s1, s0  }
0xbc: {  	s0 =	sadd.s32 $0x8F2B, s0  }
0xbd: {  	[sflag:s0] =	ssyncadd.remote.s32 $0x1  }
0xbe: {  	_ =	sfence.sel $0xFFFF  }
0xbf: {  	[dreg:$0x0] =	wrdreg $0xFFFFFFFF;
	(pc) =	sbr.abs _section_cstart, $3  }
0xc0: {  	[dreg:$0x1] =	wrdreg $0xFFFFFFFF  }
0xc1: {  	_ =	task.clear_ibuf [dreg:s7], $0x2FFFF;
	_ =	strace $0x9FFFFFFF  }
0xc2: {  	(tm) =	ssettm $0x7FFFFFFF  }
0xc3: {  	_ =	shalt  }
tec
execute0_lowered:
.L_overlay_start_1:
0x0: {  	(tag) =	ssettag $0x1  }
0x1: {  	s1 =	srdreg.scid  }
0x2: {  	s8 =	rddreg [dreg:$0x0];
	s0 =	stileid.u32  }
0x3: {  	s3 =	rddreg [dreg:$0x1];
	s2 =	simm.s32 $0x0;
	s6 =	sand.u32 $0x1, s1  }
0x4: {  	s4 =	sshll.u32 s0, $0xA;
	s1 =	rddreg [dreg:$0x2];
	s5 =	sshll.u32 s6, $0x9  }
0x5: {  	s7 =	simm.s32 $0x1;
	[smem:$0x7FF] =	sst s2;
	s9 =	sor.u32 s5, s4  }
0x6: {  	_ =	strace $0x80000047;
	s10 =	ssub.s32 $0x2, s6;
	s4 =	sshrl.u32 s9, $0x3  }
0x7: {  	s6 =	simm.s32 $0x200;
	s4 =	sadd.s32 s3, s4;
	s3 =	simm.s32 $0x2  }
0x8: {  	[tilespmem:s2], [sflag:$0x2] =	stream.linear.gather [hbm4b:s4+s2], $0x200, $0x38;
	[tilespmem:$0x8200] =	vst v63  }
0x9: {  	s5 =	sadd.s32 $0xF43C00, s8;
	s11 =	sshrl.u32 s10, $0x1;
	_ =	swait.ge [sflag:s3], $0x200  }
0xa: {  	s9 =	sshll.u32 s9, $0x3;
	s31 =	ssub.s32 s10, s11;
	[sflag:s3] =	ssyncset.done $0x0  }
0xb: {  	s8 =	sadd.s32 s9, s8;
	s9 =	smax.u32 s31, $0x1;
	[sflag:s3] =	ssyncadd.s32 $0xFFFFFE00  }
0xc: {  	[tilespmem:s6], [sflag:$0x1] =	stream.indirect.gather [hbm4b:s5+s6], $0x40, s2, s6, $0xb8;
	[tilespmem:$0x8200] =	vst v63  }
0xd: {  	p0 =	sne.s32 s9, $0x1;
	_ =	swait.ge [sflag:s7], $0x8000  }
.Ltmp0:
0xe: {  	[sflag:s7] =	ssyncset.done $0x0;
	(pc) =	sbr.rel @!p0 .LBB2_2-.Ltmp0, $4  }
0xf: {  	s8 =	sadd.s32 $0x1800, s8;
	[sflag:s7] =	ssyncadd.s32 $0xFFFF8000  }
0x10: {  	[hbm4b:s8+s2] =	stream.linear.scatter [tilespmem:s6], [sflag:$0x2], $0x8000, $0x38;
	[tilespmem:$0x8200] =	vst v63  }
0x11: {  	_ =	swait.ge [sflag:s3], $0x8000  }
0x12: {  	s9 =	sadd.s32 $0xFFFFFFFF, s9;
	[sflag:s3] =	ssyncset.done $0x0  }
.LBB2_1:
0x13: {  	p0 =	sne.s32 s9, $0x1;
	s9 =	sadd.s32 $0xFFFFFFFF, s9;
	[sflag:s3] =	ssyncadd.s32 $0xFFFF8000  }
0x14: {  	[tilespmem:s2], [sflag:$0x2] =	stream.linear.gather [hbm4b:s4+s2], $0x200, $0x38;
	[tilespmem:$0x8200] =	vst v63  }
0x15: {  	_ =	swait.ge [sflag:s3], $0x200  }
0x16: {  	[sflag:s3] =	ssyncset.done $0x0  }
0x17: {  	[sflag:s3] =	ssyncadd.s32 $0xFFFFFE00  }
0x18: {  	[tilespmem:s6], [sflag:$0x1] =	stream.indirect.gather [hbm4b:s5+s6], $0x40, s2, s6, $0xb8;
	[tilespmem:$0x8200] =	vst v63  }
0x19: {  	_ =	swait.ge [sflag:s7], $0x8000  }
.Ltmp1:
0x1a: {  	[sflag:s7] =	ssyncset.done $0x0;
	(pc) =	sbr.rel @p0 .LBB2_1-.Ltmp1, $4  }
0x1b: {  	[sflag:s7] =	ssyncadd.s32 $0xFFFF8000  }
0x1c: {  	[hbm4b:s8+s2] =	stream.linear.scatter [tilespmem:s6], [sflag:$0x2], $0x8000, $0x38;
	[tilespmem:$0x8200] =	vst v63  }
0x1d: {  	_ =	swait.ge [sflag:s3], $0x8000  }
0x1e: {  	[sflag:s3] =	ssyncset.done $0x0  }
.LBB2_2:
0x1f: {  	[sflag:s3] =	ssyncadd.s32 $0xFFFF8000  }
0x20: {  	_ =	sfence.sel $0x180000  }
0x21: {  	[bflag:$0x0] =	sbarrier.arrive $0xFFFF  }
0x22: {  	p0 =	sne.s32 s0, $0x0;
	_ =	strace $0x90000047  }
0x23: {  	s0 =	sadd.s32 @!p0 $0x100000, s1;
	[bflag:$0x2] =	sbarrier.arrive $0xFFFF  }
0x24: {  	[sflag:s0] =	ssyncadd.tile.s32 @!p0 $0x1;
	_ =	shalt  }
.Lfunc_end2:
_tile_overlayer_lowered:
.L_overlay_start_2:
0x25: {  	(tag) =	ssettag $0x2  }
0x26: {  	s0 =	rddreg [dreg:$0x0];
	s2 =	stileid.u32  }
0x27: {  	s1 =	rddreg [dreg:$0x1];
	p0 =	sne.s32 s2, $0x0  }
0x28: {  	s3 =	rddreg [dreg:$0x2];
	[bflag:$0x3] =	sbarrier.arrive $0xFFFF;
	s2 =	simm.s32 @!p0 $0x1C02  }
0x29: {  	[timem:s3], [sflag:s2] =	dma.local @!p0 [hbm:s0], s1  }
0x2a: {  	s0 =	simm.s32 @!p0 $0x2  }
0x2b: {  	_ =	swait.ge @!p0 [sflag:s0], s1  }
0x2c: {  	s1 =	ssub.s32 @!p0 $0x0, s1;
	[sflag:s0] =	ssyncset.done @!p0 $0x0  }
0x2d: {  	[sflag:s0] =	ssyncadd.s32 @!p0 s1  }
0x2e: {  	[bflag:$0x3] =	sbarrier.arrive $0xFFFF  }
0x2f: {  	_ =	shalt  }

</sc_bundles>
